<compile_context>
chip_gen: v7x
topology: tpu7x:2x2x1
jax: 0.10.2.dev20260603
libtpu: 0.0.44.dev20260713+nightly
codegen_flags: <defaults>
</compile_context>

<pallas_src>
import functools

import jax
import jax.numpy as jnp
from jax import lax
from jax.experimental import pallas as pl
from jax.experimental.pallas import tpu as pltpu
from jax.experimental.pallas import tpu_sc as plsc

_N = 10000
_E = 320000
_D = 128
_NC = 2
_NS = 16
_BW = 80
_NB = _E // (_NC * _NS * _BW)
_NP = 10016
_RPT = _NP // _NS


def _seg_body(h_hbm, src_hbm, dst_hbm, out_hbm, sidx, didx, rows_0, rows_1,
              rows_2, acc, gsem_0, gsem_1, gsem_2, ssem_0, ssem_1, ssem_2):
    c = lax.axis_index("c")
    s = lax.axis_index("s")
    wid = s * _NC + c
    r0 = s * _RPT
    cb = wid * _NB
    pltpu.sync_copy(src_hbm.at[pl.ds(cb, _NB)], sidx)
    pltpu.sync_copy(dst_hbm.at[pl.ds(cb, _NB)], didx)
    pltpu.sync_copy(h_hbm.at[pl.ds(r0, _RPT)], acc.at[pl.ds(r0, _RPT)])
    plsc.subcore_barrier()

    def start_g(j, rows, gsem):
        pltpu.async_copy(h_hbm.at[sidx.at[j]], rows, gsem)

    def wait_g(j, rows, gsem):
        pltpu.make_async_copy(h_hbm.at[sidx.at[j]], rows, gsem).wait()

    def start_s(j, rows, ssem):
        pltpu.async_copy(rows, acc.at[didx.at[j]], ssem, add=True)

    def wait_s(j, rows, ssem):
        pltpu.make_async_copy(rows, acc.at[didx.at[j]], ssem).wait()

    bufs = (rows_0, rows_1, rows_2)
    gsems = (gsem_0, gsem_1, gsem_2)
    ssems = (ssem_0, ssem_1, ssem_2)

    def step(j, b, has_swait=True, prefetch=True):
        bp = (b - 1) % 3
        wait_g(j, bufs[b], gsems[b])
        start_s(j, bufs[b], ssems[b])
        if has_swait:
            wait_s(j - 1, bufs[bp], ssems[bp])
        if prefetch:
            start_g(j + 2, bufs[bp], gsems[bp])

    start_g(0, rows_0, gsem_0)
    start_g(1, rows_1, gsem_1)
    wait_g(0, rows_0, gsem_0)
    start_s(0, rows_0, ssem_0)
    start_g(2, rows_2, gsem_2)
    step(1, 1)

    def body(i, carry):
        j = 3 * i + 2
        step(j, 2)
        step(j + 1, 0)
        step(j + 2, 1)
        return carry

    lax.fori_loop(0, (_NB - 5) // 3, body, 0)
    step(_NB - 3, (_NB - 3) % 3)
    step(_NB - 2, (_NB - 2) % 3, prefetch=False)
    step(_NB - 1, (_NB - 1) % 3, prefetch=False)
    wait_s(_NB - 1, bufs[(_NB - 1) % 3], ssems[(_NB - 1) % 3])
    plsc.subcore_barrier()
    pltpu.sync_copy(acc.at[pl.ds(r0, _RPT)], out_hbm.at[c, pl.ds(r0, _RPT)])


@jax.jit
def _seg_call(h, src2d, dst2d):
    mesh = plsc.VectorSubcoreMesh(core_axis_name="c", subcore_axis_name="s")
    return pl.kernel(
        _seg_body,
        out_type=jax.ShapeDtypeStruct((_NC, _NP, _D), jnp.float32),
        mesh=mesh,
        scratch_types=[
            pltpu.VMEM((_NB, _BW), jnp.int32),
            pltpu.VMEM((_NB, _BW), jnp.int32),
            pltpu.VMEM((_BW, _D), jnp.float32),
            pltpu.VMEM((_BW, _D), jnp.float32),
            pltpu.VMEM((_BW, _D), jnp.float32),
            pltpu.VMEM_SHARED((_NP, _D), jnp.float32),
            pltpu.SemaphoreType.DMA,
            pltpu.SemaphoreType.DMA,
            pltpu.SemaphoreType.DMA,
            pltpu.SemaphoreType.DMA,
            pltpu.SemaphoreType.DMA,
            pltpu.SemaphoreType.DMA,
        ],
        compiler_params=pltpu.CompilerParams(use_tc_tiling_on_sc=False),
    )(h, src2d, dst2d)


def _bn_masked(t, rm, g, be):
    m = jnp.sum(t * rm, axis=0, keepdims=True) * (1.0 / _N)
    d = (t - m) * rm
    v = jnp.sum(d * d, axis=0, keepdims=True) * (1.0 / _N)
    return d * lax.rsqrt(v + 1e-5) * g + be


def _mlp_body(final_bn, h_ref, p_ref, w1_ref, b1_ref, g1_ref, be1_ref,
              w2_ref, b2_ref, g2_ref, be2_ref, o_ref):
    rows = lax.broadcasted_iota(jnp.int32, (_NP, 1), 0)
    rm = jnp.where(rows < _N, 1.0, 0.0)
    rst = p_ref[0] + p_ref[1] - h_ref[...]
    t = jnp.dot(rst, w1_ref[...], preferred_element_type=jnp.float32) + b1_ref[...]
    t = jnp.maximum(_bn_masked(t, rm, g1_ref[...], be1_ref[...]), 0.0)
    t = jnp.dot(t, w2_ref[...], preferred_element_type=jnp.float32) + b2_ref[...]
    if final_bn:
        t = jnp.maximum(_bn_masked(t, rm, g2_ref[...], be2_ref[...]), 0.0)
        o_ref[...] = t * rm
    else:
        o_ref[...] = t[:_N]


def _mlp_call(h, p, w1, b1, g1, be1, w2, b2, g2, be2, final_bn):
    vecs = [vv.reshape(1, _D) for vv in (b1, g1, be1, b2, g2, be2)]
    out_rows = _NP if final_bn else _N
    return pl.pallas_call(
        functools.partial(_mlp_body, final_bn),
        out_shape=jax.ShapeDtypeStruct((out_rows, _D), jnp.float32),
    )(h, p, w1, vecs[0], vecs[1], vecs[2], w2, vecs[3], vecs[4],
      vecs[5])


def kernel(x, edge_index, l0_w1, l0_b1, l0_g1, l0_be1, l0_w2, l0_b2, l0_g2,
           l0_be2, l1_w1, l1_b1, l1_g1, l1_be1, l1_w2, l1_b2):
    src2d = edge_index[0].reshape(_E // _BW, _BW)
    dst2d = edge_index[1].reshape(_E // _BW, _BW)
    xp = jnp.pad(x, ((0, _NP - _N), (0, 0)))
    p0 = _seg_call(xp, src2d, dst2d)
    h1 = _mlp_call(xp, p0, l0_w1, l0_b1, l0_g1, l0_be1, l0_w2, l0_b2,
                   l0_g2, l0_be2, True)
    p1 = _seg_call(h1, src2d, dst2d)
    out = _mlp_call(h1, p1, l1_w1, l1_b1, l1_g1, l1_be1, l1_w2, l1_b2,
                    l1_b2, l1_b2, False)
    return out

# --- scband reference (transcript-rebuilt; emitter-appended) ---
"""Pipeline reference for scband-gin-8856222564746 (READ-ONLY COPY).

The authoritative reference and input builder live on the scoring server;
editing this copy changes nothing except your own understanding.
"""

import jax, jax.numpy as jnp
import numpy as np

N = 10000
E = 320000
D = 128

def _bn(h, g, b):
    m = jnp.mean(h, axis=0, keepdims=True)
    v = jnp.var(h, axis=0, keepdims=True)
    return (h - m) / jnp.sqrt(v + 1e-5) * g + b

def setup_inputs(seed: int = 0) -> dict:
    key = jax.random.key(seed)
    ks = jax.random.split(key, 20)
    inp = {}
    inp['x'] = jax.random.normal(ks[0], (N, D), dtype=jnp.float32)
    inp['edge_index'] = jax.random.randint(ks[1], (2, E), 0, N, dtype=jnp.int32)
    s = 0.05
    # layer 0: GINConv with ApplyNodeFunc(MLP(2, D, D, D))
    inp['l0_w1'] = jax.random.normal(ks[2], (D, D), dtype=jnp.float32) * s
    inp['l0_b1'] = jnp.zeros((D,), dtype=jnp.float32)
    inp['l0_g1'] = jnp.ones((D,), dtype=jnp.float32)
    inp['l0_be1'] = jnp.zeros((D,), dtype=jnp.float32)
    inp['l0_w2'] = jax.random.normal(ks[3], (D, D), dtype=jnp.float32) * s
    inp['l0_b2'] = jnp.zeros((D,), dtype=jnp.float32)
    inp['l0_g2'] = jnp.ones((D,), dtype=jnp.float32)   # ApplyNodeFunc outer BN
    inp['l0_be2'] = jnp.zeros((D,), dtype=jnp.float32)
    # layer 1 (last, encoding=False): GINConv with plain MLP(2, D, D, D), no outer norm/act
    inp['l1_w1'] = jax.random.normal(ks[4], (D, D), dtype=jnp.float32) * s
    inp['l1_b1'] = jnp.zeros((D,), dtype=jnp.float32)
    inp['l1_g1'] = jnp.ones((D,), dtype=jnp.float32)
    inp['l1_be1'] = jnp.zeros((D,), dtype=jnp.float32)
    inp['l1_w2'] = jax.random.normal(ks[5], (D, D), dtype=jnp.float32) * s
    inp['l1_b2'] = jnp.zeros((D,), dtype=jnp.float32)
    return inp

def reference(x, edge_index, l0_w1, l0_b1, l0_g1, l0_be1, l0_w2, l0_b2, l0_g2, l0_be2, l1_w1, l1_b1, l1_g1, l1_be1, l1_w2, l1_b2):
    src = edge_index[0]
    dst = edge_index[1]
    # ----- layer 0 -----
    h = x  # dropout p=0.0 is identity
    neigh = jax.ops.segment_sum(h[src], dst, num_segments=N)
    rst = (1.0 + 0.0) * h + neigh  # eps = 0, sum aggregator
    # MLP(2): linear -> BN -> relu -> linear
    t = rst @ l0_w1 + l0_b1
    t = _bn(t, l0_g1, l0_be1)
    t = jax.nn.relu(t)
    t = t @ l0_w2 + l0_b2
    # ApplyNodeFunc: BN -> relu
    t = _bn(t, l0_g2, l0_be2)
    h = jax.nn.relu(t)
    # ----- layer 1 (last) -----
    neigh = jax.ops.segment_sum(h[src], dst, num_segments=N)
    rst = (1.0 + 0.0) * h + neigh
    t = rst @ l1_w1 + l1_b1
    t = _bn(t, l1_g1, l1_be1)
    t = jax.nn.relu(t)
    out = t @ l1_w2 + l1_b2
    return out

if __name__ == "__main__":
    import jax
    _d = setup_inputs()
    print(jax.jit(kernel)(*tuple(_d.values())))

</pallas_src>

<mosaic_0001>
#map = affine_map<(d0, d1) -> (0, 0)>
#map1 = affine_map<(d0, d1) -> (0, 0, 0)>
module attributes {stable_mosaic.version = 14 : i64} {
  func.func @_seg_body(%arg0: i32, %arg1: i32, %arg2: memref<10016x128xf32, #tpu.memory_space<hbm>>, %arg3: memref<4000x80xi32, #tpu.memory_space<hbm>>, %arg4: memref<4000x80xi32, #tpu.memory_space<hbm>>, %arg5: memref<2x10016x128xf32, #tpu.memory_space<hbm>>, %arg6: memref<125x80xi32, #tpu.memory_space<vmem>>, %arg7: memref<125x80xi32, #tpu.memory_space<vmem>>, %arg8: memref<80x128xf32, #tpu.memory_space<vmem>>, %arg9: memref<80x128xf32, #tpu.memory_space<vmem>>, %arg10: memref<80x128xf32, #tpu.memory_space<vmem>>, %arg11: memref<10016x128xf32, #tpu.memory_space<vmem_shared>>, %arg12: memref<!tpu.dma_semaphore, #tpu.memory_space<semaphore_mem>>, %arg13: memref<!tpu.dma_semaphore, #tpu.memory_space<semaphore_mem>>, %arg14: memref<!tpu.dma_semaphore, #tpu.memory_space<semaphore_mem>>, %arg15: memref<!tpu.dma_semaphore, #tpu.memory_space<semaphore_mem>>, %arg16: memref<!tpu.dma_semaphore, #tpu.memory_space<semaphore_mem>>, %arg17: memref<!tpu.dma_semaphore, #tpu.memory_space<semaphore_mem>>) attributes {dimension_semantics = [#tpu.dimension_semantics<core_parallel>, #tpu.dimension_semantics<subcore_parallel>], iteration_bounds = array<i64: 2, 16>, scalar_prefetch = 0 : i64, scratch_operands = 12 : i64, tpu.core_type = #tpu.core_type<sc_vector_subcore>, window_params = [{transform_indices = #map}, {transform_indices = #map}, {transform_indices = #map}, {transform_indices = #map1}]} {
    %mul3A = arith.constant 2 : i32
    %mul3A_0 = arith.muli %arg1, %mul3A : i32
    %add3A = arith.addi %mul3A_0, %arg0 : i32
    %mul3A_1 = arith.constant 626 : i32
    %mul3A_2 = arith.muli %arg1, %mul3A_1 : i32
    %mul3A_3 = arith.constant 125 : i32
    %mul3A_4 = arith.muli %add3A, %mul3A_3 : i32
    "tpu.region"() ({
      %run_scoped3A = tpu.sem_alloc : memref<!tpu.dma_semaphore, #tpu.memory_space<semaphore_mem>>
      %dma_start3A_149 = arith.constant 0 : i32
      %dma_start3A_150 = tpu.memref_slice %arg3[%mul3A_4, %dma_start3A_149] : memref<4000x80xi32, #tpu.memory_space<hbm>> -> memref<125x80xi32, #tpu.memory_space<hbm>>
      %dma_start3A_151 = arith.constant 0 : i32
      %dma_start3A_152 = tpu.memref_slice %arg3[%mul3A_4, %dma_start3A_151] : memref<4000x80xi32, #tpu.memory_space<hbm>> -> memref<125x80xi32, #tpu.memory_space<hbm>>
      tpu.enqueue_dma source(%dma_start3A_152 : memref<125x80xi32, #tpu.memory_space<hbm>>) target(%arg6 : memref<125x80xi32, #tpu.memory_space<vmem>>) target_semaphore(%run_scoped3A : memref<!tpu.dma_semaphore, #tpu.memory_space<semaphore_mem>>)
      %dma_wait3A_153 = arith.constant 0 : i32
      %dma_wait3A_154 = tpu.memref_slice %arg3[%mul3A_4, %dma_wait3A_153] : memref<4000x80xi32, #tpu.memory_space<hbm>> -> memref<125x80xi32, #tpu.memory_space<hbm>>
      %dma_wait3A_155 = arith.constant 0 : i32
      %dma_wait3A_156 = tpu.memref_slice %arg3[%mul3A_4, %dma_wait3A_155] : memref<4000x80xi32, #tpu.memory_space<hbm>> -> memref<125x80xi32, #tpu.memory_space<hbm>>
      tpu.wait_dma2 semaphore(%run_scoped3A : memref<!tpu.dma_semaphore, #tpu.memory_space<semaphore_mem>>) src(%dma_wait3A_156 : memref<125x80xi32, #tpu.memory_space<hbm>>) dst(%arg6 : memref<125x80xi32, #tpu.memory_space<vmem>>)
      tpu.yield
    }) : () -> ()
    "tpu.region"() ({
      %run_scoped3A = tpu.sem_alloc : memref<!tpu.dma_semaphore, #tpu.memory_space<semaphore_mem>>
      %dma_start3A_149 = arith.constant 0 : i32
      %dma_start3A_150 = tpu.memref_slice %arg4[%mul3A_4, %dma_start3A_149] : memref<4000x80xi32, #tpu.memory_space<hbm>> -> memref<125x80xi32, #tpu.memory_space<hbm>>
      %dma_start3A_151 = arith.constant 0 : i32
      %dma_start3A_152 = tpu.memref_slice %arg4[%mul3A_4, %dma_start3A_151] : memref<4000x80xi32, #tpu.memory_space<hbm>> -> memref<125x80xi32, #tpu.memory_space<hbm>>
      tpu.enqueue_dma source(%dma_start3A_152 : memref<125x80xi32, #tpu.memory_space<hbm>>) target(%arg7 : memref<125x80xi32, #tpu.memory_space<vmem>>) target_semaphore(%run_scoped3A : memref<!tpu.dma_semaphore, #tpu.memory_space<semaphore_mem>>)
      %dma_wait3A_153 = arith.constant 0 : i32
      %dma_wait3A_154 = tpu.memref_slice %arg4[%mul3A_4, %dma_wait3A_153] : memref<4000x80xi32, #tpu.memory_space<hbm>> -> memref<125x80xi32, #tpu.memory_space<hbm>>
      %dma_wait3A_155 = arith.constant 0 : i32
      %dma_wait3A_156 = tpu.memref_slice %arg4[%mul3A_4, %dma_wait3A_155] : memref<4000x80xi32, #tpu.memory_space<hbm>> -> memref<125x80xi32, #tpu.memory_space<hbm>>
      tpu.wait_dma2 semaphore(%run_scoped3A : memref<!tpu.dma_semaphore, #tpu.memory_space<semaphore_mem>>) src(%dma_wait3A_156 : memref<125x80xi32, #tpu.memory_space<hbm>>) dst(%arg7 : memref<125x80xi32, #tpu.memory_space<vmem>>)
      tpu.yield
    }) : () -> ()
    "tpu.region"() ({
      %run_scoped3A = tpu.sem_alloc : memref<!tpu.dma_semaphore, #tpu.memory_space<semaphore_mem>>
      %dma_start3A_149 = arith.constant 0 : i32
      %dma_start3A_150 = tpu.memref_slice %arg11[%mul3A_2, %dma_start3A_149] : memref<10016x128xf32, #tpu.memory_space<vmem_shared>> -> memref<626x128xf32, #tpu.memory_space<vmem_shared>>
      %dma_start3A_151 = arith.constant 0 : i32
      %dma_start3A_152 = tpu.memref_slice %arg2[%mul3A_2, %dma_start3A_151] : memref<10016x128xf32, #tpu.memory_space<hbm>> -> memref<626x128xf32, #tpu.memory_space<hbm>>
      tpu.enqueue_dma source(%dma_start3A_152 : memref<626x128xf32, #tpu.memory_space<hbm>>) target(%dma_start3A_150 : memref<626x128xf32, #tpu.memory_space<vmem_shared>>) target_semaphore(%run_scoped3A : memref<!tpu.dma_semaphore, #tpu.memory_space<semaphore_mem>>)
      %dma_wait3A_153 = arith.constant 0 : i32
      %dma_wait3A_154 = tpu.memref_slice %arg11[%mul3A_2, %dma_wait3A_153] : memref<10016x128xf32, #tpu.memory_space<vmem_shared>> -> memref<626x128xf32, #tpu.memory_space<vmem_shared>>
      %dma_wait3A_155 = arith.constant 0 : i32
      %dma_wait3A_156 = tpu.memref_slice %arg2[%mul3A_2, %dma_wait3A_155] : memref<10016x128xf32, #tpu.memory_space<hbm>> -> memref<626x128xf32, #tpu.memory_space<hbm>>
      tpu.wait_dma2 semaphore(%run_scoped3A : memref<!tpu.dma_semaphore, #tpu.memory_space<semaphore_mem>>) src(%dma_wait3A_156 : memref<626x128xf32, #tpu.memory_space<hbm>>) dst(%dma_wait3A_154 : memref<626x128xf32, #tpu.memory_space<vmem_shared>>)
      tpu.yield
    }) : () -> ()
    %barrier3A = arith.constant 0 : index
    tpu.barrier barrier_id(%barrier3A)
    %dma_start3A = arith.constant 0 : i32
    %dma_start3A_5 = arith.constant 0 : i32
    %dma_start3A_6 = tpu.memref_slice %arg6[%dma_start3A, %dma_start3A_5] : memref<125x80xi32, #tpu.memory_space<vmem>> -> memref<1x80xi32, #tpu.memory_space<vmem>>
    %dma_start3A_7 = tpu.memref_squeeze %dma_start3A_6 : memref<1x80xi32, #tpu.memory_space<vmem>> -> memref<80xi32, #tpu.memory_space<vmem>>
    %dma_start3A_8 = arith.constant 0 : i32
    %dma_start3A_9 = arith.constant 0 : i32
    %dma_start3A_10 = tpu.memref_slice %arg2[%dma_start3A_8, %dma_start3A_9] : memref<10016x128xf32, #tpu.memory_space<hbm>> -> memref<10016x128xf32, #tpu.memory_space<hbm>>
    tpu.enqueue_indirect_dma source(%dma_start3A_10 : memref<10016x128xf32, #tpu.memory_space<hbm>>) target(%arg8 : memref<80x128xf32, #tpu.memory_space<vmem>>) offsets(%dma_start3A_7 : memref<80xi32, #tpu.memory_space<vmem>>) semaphore(%arg12 : memref<!tpu.dma_semaphore, #tpu.memory_space<semaphore_mem>>)
    %dma_start3A_11 = arith.constant 1 : i32
    %dma_start3A_12 = arith.constant 0 : i32
    %dma_start3A_13 = tpu.memref_slice %arg6[%dma_start3A_11, %dma_start3A_12] : memref<125x80xi32, #tpu.memory_space<vmem>> -> memref<1x80xi32, #tpu.memory_space<vmem>>
    %dma_start3A_14 = tpu.memref_squeeze %dma_start3A_13 : memref<1x80xi32, #tpu.memory_space<vmem>> -> memref<80xi32, #tpu.memory_space<vmem>>
    %dma_start3A_15 = arith.constant 0 : i32
    %dma_start3A_16 = arith.constant 0 : i32
    %dma_start3A_17 = tpu.memref_slice %arg2[%dma_start3A_15, %dma_start3A_16] : memref<10016x128xf32, #tpu.memory_space<hbm>> -> memref<10016x128xf32, #tpu.memory_space<hbm>>
    tpu.enqueue_indirect_dma source(%dma_start3A_17 : memref<10016x128xf32, #tpu.memory_space<hbm>>) target(%arg9 : memref<80x128xf32, #tpu.memory_space<vmem>>) offsets(%dma_start3A_14 : memref<80xi32, #tpu.memory_space<vmem>>) semaphore(%arg13 : memref<!tpu.dma_semaphore, #tpu.memory_space<semaphore_mem>>)
    %dma_wait3A = arith.constant 0 : i32
    %dma_wait3A_18 = arith.constant 0 : i32
    %dma_wait3A_19 = tpu.memref_slice %arg6[%dma_wait3A, %dma_wait3A_18] : memref<125x80xi32, #tpu.memory_space<vmem>> -> memref<1x80xi32, #tpu.memory_space<vmem>>
    %dma_wait3A_20 = tpu.memref_squeeze %dma_wait3A_19 : memref<1x80xi32, #tpu.memory_space<vmem>> -> memref<80xi32, #tpu.memory_space<vmem>>
    %dma_wait3A_21 = arith.constant 0 : i32
    %dma_wait3A_22 = arith.constant 0 : i32
    %dma_wait3A_23 = tpu.memref_slice %arg2[%dma_wait3A_21, %dma_wait3A_22] : memref<10016x128xf32, #tpu.memory_space<hbm>> -> memref<10016x128xf32, #tpu.memory_space<hbm>>
    tpu.wait_indirect_dma semaphore(%arg12 : memref<!tpu.dma_semaphore, #tpu.memory_space<semaphore_mem>>) src(%dma_wait3A_23 : memref<10016x128xf32, #tpu.memory_space<hbm>>) dst(%arg8 : memref<80x128xf32, #tpu.memory_space<vmem>>)
    %dma_start3A_24 = arith.constant 0 : i32
    %dma_start3A_25 = arith.constant 0 : i32
    %dma_start3A_26 = tpu.memref_slice %arg7[%dma_start3A_24, %dma_start3A_25] : memref<125x80xi32, #tpu.memory_space<vmem>> -> memref<1x80xi32, #tpu.memory_space<vmem>>
    %dma_start3A_27 = tpu.memref_squeeze %dma_start3A_26 : memref<1x80xi32, #tpu.memory_space<vmem>> -> memref<80xi32, #tpu.memory_space<vmem>>
    %dma_start3A_28 = arith.constant 0 : i32
    %dma_start3A_29 = arith.constant 0 : i32
    %dma_start3A_30 = tpu.memref_slice %arg11[%dma_start3A_28, %dma_start3A_29] : memref<10016x128xf32, #tpu.memory_space<vmem_shared>> -> memref<10016x128xf32, #tpu.memory_space<vmem_shared>>
    tpu.enqueue_indirect_dma source(%arg8 : memref<80x128xf32, #tpu.memory_space<vmem>>) target(%dma_start3A_30 : memref<10016x128xf32, #tpu.memory_space<vmem_shared>>) offsets(%dma_start3A_27 : memref<80xi32, #tpu.memory_space<vmem>>) semaphore(%arg15 : memref<!tpu.dma_semaphore, #tpu.memory_space<semaphore_mem>>) {add = true}
    %dma_start3A_31 = arith.constant 2 : i32
    %dma_start3A_32 = arith.constant 0 : i32
    %dma_start3A_33 = tpu.memref_slice %arg6[%dma_start3A_31, %dma_start3A_32] : memref<125x80xi32, #tpu.memory_space<vmem>> -> memref<1x80xi32, #tpu.memory_space<vmem>>
    %dma_start3A_34 = tpu.memref_squeeze %dma_start3A_33 : memref<1x80xi32, #tpu.memory_space<vmem>> -> memref<80xi32, #tpu.memory_space<vmem>>
    %dma_start3A_35 = arith.constant 0 : i32
    %dma_start3A_36 = arith.constant 0 : i32
    %dma_start3A_37 = tpu.memref_slice %arg2[%dma_start3A_35, %dma_start3A_36] : memref<10016x128xf32, #tpu.memory_space<hbm>> -> memref<10016x128xf32, #tpu.memory_space<hbm>>
    tpu.enqueue_indirect_dma source(%dma_start3A_37 : memref<10016x128xf32, #tpu.memory_space<hbm>>) target(%arg10 : memref<80x128xf32, #tpu.memory_space<vmem>>) offsets(%dma_start3A_34 : memref<80xi32, #tpu.memory_space<vmem>>) semaphore(%arg14 : memref<!tpu.dma_semaphore, #tpu.memory_space<semaphore_mem>>)
    %dma_wait3A_38 = arith.constant 1 : i32
    %dma_wait3A_39 = arith.constant 0 : i32
    %dma_wait3A_40 = tpu.memref_slice %arg6[%dma_wait3A_38, %dma_wait3A_39] : memref<125x80xi32, #tpu.memory_space<vmem>> -> memref<1x80xi32, #tpu.memory_space<vmem>>
    %dma_wait3A_41 = tpu.memref_squeeze %dma_wait3A_40 : memref<1x80xi32, #tpu.memory_space<vmem>> -> memref<80xi32, #tpu.memory_space<vmem>>
    %dma_wait3A_42 = arith.constant 0 : i32
    %dma_wait3A_43 = arith.constant 0 : i32
    %dma_wait3A_44 = tpu.memref_slice %arg2[%dma_wait3A_42, %dma_wait3A_43] : memref<10016x128xf32, #tpu.memory_space<hbm>> -> memref<10016x128xf32, #tpu.memory_space<hbm>>
    tpu.wait_indirect_dma semaphore(%arg13 : memref<!tpu.dma_semaphore, #tpu.memory_space<semaphore_mem>>) src(%dma_wait3A_44 : memref<10016x128xf32, #tpu.memory_space<hbm>>) dst(%arg9 : memref<80x128xf32, #tpu.memory_space<vmem>>)
    %dma_start3A_45 = arith.constant 1 : i32
    %dma_start3A_46 = arith.constant 0 : i32
    %dma_start3A_47 = tpu.memref_slice %arg7[%dma_start3A_45, %dma_start3A_46] : memref<125x80xi32, #tpu.memory_space<vmem>> -> memref<1x80xi32, #tpu.memory_space<vmem>>
    %dma_start3A_48 = tpu.memref_squeeze %dma_start3A_47 : memref<1x80xi32, #tpu.memory_space<vmem>> -> memref<80xi32, #tpu.memory_space<vmem>>
    %dma_start3A_49 = arith.constant 0 : i32
    %dma_start3A_50 = arith.constant 0 : i32
    %dma_start3A_51 = tpu.memref_slice %arg11[%dma_start3A_49, %dma_start3A_50] : memref<10016x128xf32, #tpu.memory_space<vmem_shared>> -> memref<10016x128xf32, #tpu.memory_space<vmem_shared>>
    tpu.enqueue_indirect_dma source(%arg9 : memref<80x128xf32, #tpu.memory_space<vmem>>) target(%dma_start3A_51 : memref<10016x128xf32, #tpu.memory_space<vmem_shared>>) offsets(%dma_start3A_48 : memref<80xi32, #tpu.memory_space<vmem>>) semaphore(%arg16 : memref<!tpu.dma_semaphore, #tpu.memory_space<semaphore_mem>>) {add = true}
    %dma_wait3A_52 = arith.constant 0 : i32
    %dma_wait3A_53 = arith.constant 0 : i32
    %dma_wait3A_54 = tpu.memref_slice %arg7[%dma_wait3A_52, %dma_wait3A_53] : memref<125x80xi32, #tpu.memory_space<vmem>> -> memref<1x80xi32, #tpu.memory_space<vmem>>
    %dma_wait3A_55 = tpu.memref_squeeze %dma_wait3A_54 : memref<1x80xi32, #tpu.memory_space<vmem>> -> memref<80xi32, #tpu.memory_space<vmem>>
    %dma_wait3A_56 = arith.constant 0 : i32
    %dma_wait3A_57 = arith.constant 0 : i32
    %dma_wait3A_58 = tpu.memref_slice %arg11[%dma_wait3A_56, %dma_wait3A_57] : memref<10016x128xf32, #tpu.memory_space<vmem_shared>> -> memref<10016x128xf32, #tpu.memory_space<vmem_shared>>
    tpu.wait_indirect_dma semaphore(%arg15 : memref<!tpu.dma_semaphore, #tpu.memory_space<semaphore_mem>>) src(%arg8 : memref<80x128xf32, #tpu.memory_space<vmem>>) dst(%dma_wait3A_58 : memref<10016x128xf32, #tpu.memory_space<vmem_shared>>)
    %dma_start3A_59 = arith.constant 3 : i32
    %dma_start3A_60 = arith.constant 0 : i32
    %dma_start3A_61 = tpu.memref_slice %arg6[%dma_start3A_59, %dma_start3A_60] : memref<125x80xi32, #tpu.memory_space<vmem>> -> memref<1x80xi32, #tpu.memory_space<vmem>>
    %dma_start3A_62 = tpu.memref_squeeze %dma_start3A_61 : memref<1x80xi32, #tpu.memory_space<vmem>> -> memref<80xi32, #tpu.memory_space<vmem>>
    %dma_start3A_63 = arith.constant 0 : i32
    %dma_start3A_64 = arith.constant 0 : i32
    %dma_start3A_65 = tpu.memref_slice %arg2[%dma_start3A_63, %dma_start3A_64] : memref<10016x128xf32, #tpu.memory_space<hbm>> -> memref<10016x128xf32, #tpu.memory_space<hbm>>
    tpu.enqueue_indirect_dma source(%dma_start3A_65 : memref<10016x128xf32, #tpu.memory_space<hbm>>) target(%arg8 : memref<80x128xf32, #tpu.memory_space<vmem>>) offsets(%dma_start3A_62 : memref<80xi32, #tpu.memory_space<vmem>>) semaphore(%arg12 : memref<!tpu.dma_semaphore, #tpu.memory_space<semaphore_mem>>)
    %scan3A = arith.constant 0 : i32
    %scan3A_66 = arith.constant 0 : i32
    %scan3A_67 = arith.constant 40 : i32
    %scan3A_68 = arith.addi %scan3A_66, %scan3A_67 : i32
    %scan3A_69 = arith.constant 1 : i32
    scf.for %scan3A_149 = %scan3A_66 to %scan3A_68 step %scan3A_69  : i32 {
      %mul3A_150 = arith.constant 3 : i32
      %mul3A_151 = arith.muli %mul3A_150, %scan3A_149 : i32
      %add3A_152 = arith.constant 2 : i32
      %add3A_153 = arith.addi %mul3A_151, %add3A_152 : i32
      %dma_wait3A_154 = arith.constant 0 : i32
      %dma_wait3A_155 = tpu.memref_slice %arg6[%add3A_153, %dma_wait3A_154] : memref<125x80xi32, #tpu.memory_space<vmem>> -> memref<1x80xi32, #tpu.memory_space<vmem>>
      %dma_wait3A_156 = tpu.memref_squeeze %dma_wait3A_155 : memref<1x80xi32, #tpu.memory_space<vmem>> -> memref<80xi32, #tpu.memory_space<vmem>>
      %dma_wait3A_157 = arith.constant 0 : i32
      %dma_wait3A_158 = arith.constant 0 : i32
      %dma_wait3A_159 = tpu.memref_slice %arg2[%dma_wait3A_157, %dma_wait3A_158] : memref<10016x128xf32, #tpu.memory_space<hbm>> -> memref<10016x128xf32, #tpu.memory_space<hbm>>
      tpu.wait_indirect_dma semaphore(%arg14 : memref<!tpu.dma_semaphore, #tpu.memory_space<semaphore_mem>>) src(%dma_wait3A_159 : memref<10016x128xf32, #tpu.memory_space<hbm>>) dst(%arg10 : memref<80x128xf32, #tpu.memory_space<vmem>>)
      %dma_start3A_160 = arith.constant 0 : i32
      %dma_start3A_161 = tpu.memref_slice %arg7[%add3A_153, %dma_start3A_160] : memref<125x80xi32, #tpu.memory_space<vmem>> -> memref<1x80xi32, #tpu.memory_space<vmem>>
      %dma_start3A_162 = tpu.memref_squeeze %dma_start3A_161 : memref<1x80xi32, #tpu.memory_space<vmem>> -> memref<80xi32, #tpu.memory_space<vmem>>
      %dma_start3A_163 = arith.constant 0 : i32
      %dma_start3A_164 = arith.constant 0 : i32
      %dma_start3A_165 = tpu.memref_slice %arg11[%dma_start3A_163, %dma_start3A_164] : memref<10016x128xf32, #tpu.memory_space<vmem_shared>> -> memref<10016x128xf32, #tpu.memory_space<vmem_shared>>
      tpu.enqueue_indirect_dma source(%arg10 : memref<80x128xf32, #tpu.memory_space<vmem>>) target(%dma_start3A_165 : memref<10016x128xf32, #tpu.memory_space<vmem_shared>>) offsets(%dma_start3A_162 : memref<80xi32, #tpu.memory_space<vmem>>) semaphore(%arg17 : memref<!tpu.dma_semaphore, #tpu.memory_space<semaphore_mem>>) {add = true}
      %sub3A = arith.constant 1 : i32
      %sub3A_166 = arith.subi %add3A_153, %sub3A : i32
      %dma_wait3A_167 = arith.constant 0 : i32
      %dma_wait3A_168 = tpu.memref_slice %arg7[%sub3A_166, %dma_wait3A_167] : memref<125x80xi32, #tpu.memory_space<vmem>> -> memref<1x80xi32, #tpu.memory_space<vmem>>
      %dma_wait3A_169 = tpu.memref_squeeze %dma_wait3A_168 : memref<1x80xi32, #tpu.memory_space<vmem>> -> memref<80xi32, #tpu.memory_space<vmem>>
      %dma_wait3A_170 = arith.constant 0 : i32
      %dma_wait3A_171 = arith.constant 0 : i32
      %dma_wait3A_172 = tpu.memref_slice %arg11[%dma_wait3A_170, %dma_wait3A_171] : memref<10016x128xf32, #tpu.memory_space<vmem_shared>> -> memref<10016x128xf32, #tpu.memory_space<vmem_shared>>
      tpu.wait_indirect_dma semaphore(%arg16 : memref<!tpu.dma_semaphore, #tpu.memory_space<semaphore_mem>>) src(%arg9 : memref<80x128xf32, #tpu.memory_space<vmem>>) dst(%dma_wait3A_172 : memref<10016x128xf32, #tpu.memory_space<vmem_shared>>)
      %add3A_173 = arith.constant 2 : i32
      %add3A_174 = arith.addi %add3A_153, %add3A_173 : i32
      %dma_start3A_175 = arith.constant 0 : i32
      %dma_start3A_176 = tpu.memref_slice %arg6[%add3A_174, %dma_start3A_175] : memref<125x80xi32, #tpu.memory_space<vmem>> -> memref<1x80xi32, #tpu.memory_space<vmem>>
      %dma_start3A_177 = tpu.memref_squeeze %dma_start3A_176 : memref<1x80xi32, #tpu.memory_space<vmem>> -> memref<80xi32, #tpu.memory_space<vmem>>
      %dma_start3A_178 = arith.constant 0 : i32
      %dma_start3A_179 = arith.constant 0 : i32
      %dma_start3A_180 = tpu.memref_slice %arg2[%dma_start3A_178, %dma_start3A_179] : memref<10016x128xf32, #tpu.memory_space<hbm>> -> memref<10016x128xf32, #tpu.memory_space<hbm>>
      tpu.enqueue_indirect_dma source(%dma_start3A_180 : memref<10016x128xf32, #tpu.memory_space<hbm>>) target(%arg9 : memref<80x128xf32, #tpu.memory_space<vmem>>) offsets(%dma_start3A_177 : memref<80xi32, #tpu.memory_space<vmem>>) semaphore(%arg13 : memref<!tpu.dma_semaphore, #tpu.memory_space<semaphore_mem>>)
      %add3A_181 = arith.constant 1 : i32
      %add3A_182 = arith.addi %add3A_153, %add3A_181 : i32
      %dma_wait3A_183 = arith.constant 0 : i32
      %dma_wait3A_184 = tpu.memref_slice %arg6[%add3A_182, %dma_wait3A_183] : memref<125x80xi32, #tpu.memory_space<vmem>> -> memref<1x80xi32, #tpu.memory_space<vmem>>
      %dma_wait3A_185 = tpu.memref_squeeze %dma_wait3A_184 : memref<1x80xi32, #tpu.memory_space<vmem>> -> memref<80xi32, #tpu.memory_space<vmem>>
      %dma_wait3A_186 = arith.constant 0 : i32
      %dma_wait3A_187 = arith.constant 0 : i32
      %dma_wait3A_188 = tpu.memref_slice %arg2[%dma_wait3A_186, %dma_wait3A_187] : memref<10016x128xf32, #tpu.memory_space<hbm>> -> memref<10016x128xf32, #tpu.memory_space<hbm>>
      tpu.wait_indirect_dma semaphore(%arg12 : memref<!tpu.dma_semaphore, #tpu.memory_space<semaphore_mem>>) src(%dma_wait3A_188 : memref<10016x128xf32, #tpu.memory_space<hbm>>) dst(%arg8 : memref<80x128xf32, #tpu.memory_space<vmem>>)
      %dma_start3A_189 = arith.constant 0 : i32
      %dma_start3A_190 = tpu.memref_slice %arg7[%add3A_182, %dma_start3A_189] : memref<125x80xi32, #tpu.memory_space<vmem>> -> memref<1x80xi32, #tpu.memory_space<vmem>>
      %dma_start3A_191 = tpu.memref_squeeze %dma_start3A_190 : memref<1x80xi32, #tpu.memory_space<vmem>> -> memref<80xi32, #tpu.memory_space<vmem>>
      %dma_start3A_192 = arith.constant 0 : i32
      %dma_start3A_193 = arith.constant 0 : i32
      %dma_start3A_194 = tpu.memref_slice %arg11[%dma_start3A_192, %dma_start3A_193] : memref<10016x128xf32, #tpu.memory_space<vmem_shared>> -> memref<10016x128xf32, #tpu.memory_space<vmem_shared>>
      tpu.enqueue_indirect_dma source(%arg8 : memref<80x128xf32, #tpu.memory_space<vmem>>) target(%dma_start3A_194 : memref<10016x128xf32, #tpu.memory_space<vmem_shared>>) offsets(%dma_start3A_191 : memref<80xi32, #tpu.memory_space<vmem>>) semaphore(%arg15 : memref<!tpu.dma_semaphore, #tpu.memory_space<semaphore_mem>>) {add = true}
      %sub3A_195 = arith.constant 1 : i32
      %sub3A_196 = arith.subi %add3A_182, %sub3A_195 : i32
      %dma_wait3A_197 = arith.constant 0 : i32
      %dma_wait3A_198 = tpu.memref_slice %arg7[%sub3A_196, %dma_wait3A_197] : memref<125x80xi32, #tpu.memory_space<vmem>> -> memref<1x80xi32, #tpu.memory_space<vmem>>
      %dma_wait3A_199 = tpu.memref_squeeze %dma_wait3A_198 : memref<1x80xi32, #tpu.memory_space<vmem>> -> memref<80xi32, #tpu.memory_space<vmem>>
      %dma_wait3A_200 = arith.constant 0 : i32
      %dma_wait3A_201 = arith.constant 0 : i32
      %dma_wait3A_202 = tpu.memref_slice %arg11[%dma_wait3A_200, %dma_wait3A_201] : memref<10016x128xf32, #tpu.memory_space<vmem_shared>> -> memref<10016x128xf32, #tpu.memory_space<vmem_shared>>
      tpu.wait_indirect_dma semaphore(%arg17 : memref<!tpu.dma_semaphore, #tpu.memory_space<semaphore_mem>>) src(%arg10 : memref<80x128xf32, #tpu.memory_space<vmem>>) dst(%dma_wait3A_202 : memref<10016x128xf32, #tpu.memory_space<vmem_shared>>)
      %add3A_203 = arith.constant 2 : i32
      %add3A_204 = arith.addi %add3A_182, %add3A_203 : i32
      %dma_start3A_205 = arith.constant 0 : i32
      %dma_start3A_206 = tpu.memref_slice %arg6[%add3A_204, %dma_start3A_205] : memref<125x80xi32, #tpu.memory_space<vmem>> -> memref<1x80xi32, #tpu.memory_space<vmem>>
      %dma_start3A_207 = tpu.memref_squeeze %dma_start3A_206 : memref<1x80xi32, #tpu.memory_space<vmem>> -> memref<80xi32, #tpu.memory_space<vmem>>
      %dma_start3A_208 = arith.constant 0 : i32
      %dma_start3A_209 = arith.constant 0 : i32
      %dma_start3A_210 = tpu.memref_slice %arg2[%dma_start3A_208, %dma_start3A_209] : memref<10016x128xf32, #tpu.memory_space<hbm>> -> memref<10016x128xf32, #tpu.memory_space<hbm>>
      tpu.enqueue_indirect_dma source(%dma_start3A_210 : memref<10016x128xf32, #tpu.memory_space<hbm>>) target(%arg10 : memref<80x128xf32, #tpu.memory_space<vmem>>) offsets(%dma_start3A_207 : memref<80xi32, #tpu.memory_space<vmem>>) semaphore(%arg14 : memref<!tpu.dma_semaphore, #tpu.memory_space<semaphore_mem>>)
      %add3A_211 = arith.constant 2 : i32
      %add3A_212 = arith.addi %add3A_153, %add3A_211 : i32
      %dma_wait3A_213 = arith.constant 0 : i32
      %dma_wait3A_214 = tpu.memref_slice %arg6[%add3A_212, %dma_wait3A_213] : memref<125x80xi32, #tpu.memory_space<vmem>> -> memref<1x80xi32, #tpu.memory_space<vmem>>
      %dma_wait3A_215 = tpu.memref_squeeze %dma_wait3A_214 : memref<1x80xi32, #tpu.memory_space<vmem>> -> memref<80xi32, #tpu.memory_space<vmem>>
      %dma_wait3A_216 = arith.constant 0 : i32
      %dma_wait3A_217 = arith.constant 0 : i32
      %dma_wait3A_218 = tpu.memref_slice %arg2[%dma_wait3A_216, %dma_wait3A_217] : memref<10016x128xf32, #tpu.memory_space<hbm>> -> memref<10016x128xf32, #tpu.memory_space<hbm>>
      tpu.wait_indirect_dma semaphore(%arg13 : memref<!tpu.dma_semaphore, #tpu.memory_space<semaphore_mem>>) src(%dma_wait3A_218 : memref<10016x128xf32, #tpu.memory_space<hbm>>) dst(%arg9 : memref<80x128xf32, #tpu.memory_space<vmem>>)
      %dma_start3A_219 = arith.constant 0 : i32
      %dma_start3A_220 = tpu.memref_slice %arg7[%add3A_212, %dma_start3A_219] : memref<125x80xi32, #tpu.memory_space<vmem>> -> memref<1x80xi32, #tpu.memory_space<vmem>>
      %dma_start3A_221 = tpu.memref_squeeze %dma_start3A_220 : memref<1x80xi32, #tpu.memory_space<vmem>> -> memref<80xi32, #tpu.memory_space<vmem>>
      %dma_start3A_222 = arith.constant 0 : i32
      %dma_start3A_223 = arith.constant 0 : i32
      %dma_start3A_224 = tpu.memref_slice %arg11[%dma_start3A_222, %dma_start3A_223] : memref<10016x128xf32, #tpu.memory_space<vmem_shared>> -> memref<10016x128xf32, #tpu.memory_space<vmem_shared>>
      tpu.enqueue_indirect_dma source(%arg9 : memref<80x128xf32, #tpu.memory_space<vmem>>) target(%dma_start3A_224 : memref<10016x128xf32, #tpu.memory_space<vmem_shared>>) offsets(%dma_start3A_221 : memref<80xi32, #tpu.memory_space<vmem>>) semaphore(%arg16 : memref<!tpu.dma_semaphore, #tpu.memory_space<semaphore_mem>>) {add = true}
      %sub3A_225 = arith.constant 1 : i32
      %sub3A_226 = arith.subi %add3A_212, %sub3A_225 : i32
      %dma_wait3A_227 = arith.constant 0 : i32
      %dma_wait3A_228 = tpu.memref_slice %arg7[%sub3A_226, %dma_wait3A_227] : memref<125x80xi32, #tpu.memory_space<vmem>> -> memref<1x80xi32, #tpu.memory_space<vmem>>
      %dma_wait3A_229 = tpu.memref_squeeze %dma_wait3A_228 : memref<1x80xi32, #tpu.memory_space<vmem>> -> memref<80xi32, #tpu.memory_space<vmem>>
      %dma_wait3A_230 = arith.constant 0 : i32
      %dma_wait3A_231 = arith.constant 0 : i32
      %dma_wait3A_232 = tpu.memref_slice %arg11[%dma_wait3A_230, %dma_wait3A_231] : memref<10016x128xf32, #tpu.memory_space<vmem_shared>> -> memref<10016x128xf32, #tpu.memory_space<vmem_shared>>
      tpu.wait_indirect_dma semaphore(%arg15 : memref<!tpu.dma_semaphore, #tpu.memory_space<semaphore_mem>>) src(%arg8 : memref<80x128xf32, #tpu.memory_space<vmem>>) dst(%dma_wait3A_232 : memref<10016x128xf32, #tpu.memory_space<vmem_shared>>)
      %add3A_233 = arith.constant 2 : i32
      %add3A_234 = arith.addi %add3A_212, %add3A_233 : i32
      %dma_start3A_235 = arith.constant 0 : i32
      %dma_start3A_236 = tpu.memref_slice %arg6[%add3A_234, %dma_start3A_235] : memref<125x80xi32, #tpu.memory_space<vmem>> -> memref<1x80xi32, #tpu.memory_space<vmem>>
      %dma_start3A_237 = tpu.memref_squeeze %dma_start3A_236 : memref<1x80xi32, #tpu.memory_space<vmem>> -> memref<80xi32, #tpu.memory_space<vmem>>
      %dma_start3A_238 = arith.constant 0 : i32
      %dma_start3A_239 = arith.constant 0 : i32
      %dma_start3A_240 = tpu.memref_slice %arg2[%dma_start3A_238, %dma_start3A_239] : memref<10016x128xf32, #tpu.memory_space<hbm>> -> memref<10016x128xf32, #tpu.memory_space<hbm>>
      tpu.enqueue_indirect_dma source(%dma_start3A_240 : memref<10016x128xf32, #tpu.memory_space<hbm>>) target(%arg8 : memref<80x128xf32, #tpu.memory_space<vmem>>) offsets(%dma_start3A_237 : memref<80xi32, #tpu.memory_space<vmem>>) semaphore(%arg12 : memref<!tpu.dma_semaphore, #tpu.memory_space<semaphore_mem>>)
    }
    %scan3A_70 = arith.constant 40 : i32
    %dma_wait3A_71 = arith.constant 122 : i32
    %dma_wait3A_72 = arith.constant 0 : i32
    %dma_wait3A_73 = tpu.memref_slice %arg6[%dma_wait3A_71, %dma_wait3A_72] : memref<125x80xi32, #tpu.memory_space<vmem>> -> memref<1x80xi32, #tpu.memory_space<vmem>>
    %dma_wait3A_74 = tpu.memref_squeeze %dma_wait3A_73 : memref<1x80xi32, #tpu.memory_space<vmem>> -> memref<80xi32, #tpu.memory_space<vmem>>
    %dma_wait3A_75 = arith.constant 0 : i32
    %dma_wait3A_76 = arith.constant 0 : i32
    %dma_wait3A_77 = tpu.memref_slice %arg2[%dma_wait3A_75, %dma_wait3A_76] : memref<10016x128xf32, #tpu.memory_space<hbm>> -> memref<10016x128xf32, #tpu.memory_space<hbm>>
    tpu.wait_indirect_dma semaphore(%arg14 : memref<!tpu.dma_semaphore, #tpu.memory_space<semaphore_mem>>) src(%dma_wait3A_77 : memref<10016x128xf32, #tpu.memory_space<hbm>>) dst(%arg10 : memref<80x128xf32, #tpu.memory_space<vmem>>)
    %dma_start3A_78 = arith.constant 122 : i32
    %dma_start3A_79 = arith.constant 0 : i32
    %dma_start3A_80 = tpu.memref_slice %arg7[%dma_start3A_78, %dma_start3A_79] : memref<125x80xi32, #tpu.memory_space<vmem>> -> memref<1x80xi32, #tpu.memory_space<vmem>>
    %dma_start3A_81 = tpu.memref_squeeze %dma_start3A_80 : memref<1x80xi32, #tpu.memory_space<vmem>> -> memref<80xi32, #tpu.memory_space<vmem>>
    %dma_start3A_82 = arith.constant 0 : i32
    %dma_start3A_83 = arith.constant 0 : i32
    %dma_start3A_84 = tpu.memref_slice %arg11[%dma_start3A_82, %dma_start3A_83] : memref<10016x128xf32, #tpu.memory_space<vmem_shared>> -> memref<10016x128xf32, #tpu.memory_space<vmem_shared>>
    tpu.enqueue_indirect_dma source(%arg10 : memref<80x128xf32, #tpu.memory_space<vmem>>) target(%dma_start3A_84 : memref<10016x128xf32, #tpu.memory_space<vmem_shared>>) offsets(%dma_start3A_81 : memref<80xi32, #tpu.memory_space<vmem>>) semaphore(%arg17 : memref<!tpu.dma_semaphore, #tpu.memory_space<semaphore_mem>>) {add = true}
    %dma_wait3A_85 = arith.constant 121 : i32
    %dma_wait3A_86 = arith.constant 0 : i32
    %dma_wait3A_87 = tpu.memref_slice %arg7[%dma_wait3A_85, %dma_wait3A_86] : memref<125x80xi32, #tpu.memory_space<vmem>> -> memref<1x80xi32, #tpu.memory_space<vmem>>
    %dma_wait3A_88 = tpu.memref_squeeze %dma_wait3A_87 : memref<1x80xi32, #tpu.memory_space<vmem>> -> memref<80xi32, #tpu.memory_space<vmem>>
    %dma_wait3A_89 = arith.constant 0 : i32
    %dma_wait3A_90 = arith.constant 0 : i32
    %dma_wait3A_91 = tpu.memref_slice %arg11[%dma_wait3A_89, %dma_wait3A_90] : memref<10016x128xf32, #tpu.memory_space<vmem_shared>> -> memref<10016x128xf32, #tpu.memory_space<vmem_shared>>
    tpu.wait_indirect_dma semaphore(%arg16 : memref<!tpu.dma_semaphore, #tpu.memory_space<semaphore_mem>>) src(%arg9 : memref<80x128xf32, #tpu.memory_space<vmem>>) dst(%dma_wait3A_91 : memref<10016x128xf32, #tpu.memory_space<vmem_shared>>)
    %dma_start3A_92 = arith.constant 124 : i32
    %dma_start3A_93 = arith.constant 0 : i32
    %dma_start3A_94 = tpu.memref_slice %arg6[%dma_start3A_92, %dma_start3A_93] : memref<125x80xi32, #tpu.memory_space<vmem>> -> memref<1x80xi32, #tpu.memory_space<vmem>>
    %dma_start3A_95 = tpu.memref_squeeze %dma_start3A_94 : memref<1x80xi32, #tpu.memory_space<vmem>> -> memref<80xi32, #tpu.memory_space<vmem>>
    %dma_start3A_96 = arith.constant 0 : i32
    %dma_start3A_97 = arith.constant 0 : i32
    %dma_start3A_98 = tpu.memref_slice %arg2[%dma_start3A_96, %dma_start3A_97] : memref<10016x128xf32, #tpu.memory_space<hbm>> -> memref<10016x128xf32, #tpu.memory_space<hbm>>
    tpu.enqueue_indirect_dma source(%dma_start3A_98 : memref<10016x128xf32, #tpu.memory_space<hbm>>) target(%arg9 : memref<80x128xf32, #tpu.memory_space<vmem>>) offsets(%dma_start3A_95 : memref<80xi32, #tpu.memory_space<vmem>>) semaphore(%arg13 : memref<!tpu.dma_semaphore, #tpu.memory_space<semaphore_mem>>)
    %dma_wait3A_99 = arith.constant 123 : i32
    %dma_wait3A_100 = arith.constant 0 : i32
    %dma_wait3A_101 = tpu.memref_slice %arg6[%dma_wait3A_99, %dma_wait3A_100] : memref<125x80xi32, #tpu.memory_space<vmem>> -> memref<1x80xi32, #tpu.memory_space<vmem>>
    %dma_wait3A_102 = tpu.memref_squeeze %dma_wait3A_101 : memref<1x80xi32, #tpu.memory_space<vmem>> -> memref<80xi32, #tpu.memory_space<vmem>>
    %dma_wait3A_103 = arith.constant 0 : i32
    %dma_wait3A_104 = arith.constant 0 : i32
    %dma_wait3A_105 = tpu.memref_slice %arg2[%dma_wait3A_103, %dma_wait3A_104] : memref<10016x128xf32, #tpu.memory_space<hbm>> -> memref<10016x128xf32, #tpu.memory_space<hbm>>
    tpu.wait_indirect_dma semaphore(%arg12 : memref<!tpu.dma_semaphore, #tpu.memory_space<semaphore_mem>>) src(%dma_wait3A_105 : memref<10016x128xf32, #tpu.memory_space<hbm>>) dst(%arg8 : memref<80x128xf32, #tpu.memory_space<vmem>>)
    %dma_start3A_106 = arith.constant 123 : i32
    %dma_start3A_107 = arith.constant 0 : i32
    %dma_start3A_108 = tpu.memref_slice %arg7[%dma_start3A_106, %dma_start3A_107] : memref<125x80xi32, #tpu.memory_space<vmem>> -> memref<1x80xi32, #tpu.memory_space<vmem>>
    %dma_start3A_109 = tpu.memref_squeeze %dma_start3A_108 : memref<1x80xi32, #tpu.memory_space<vmem>> -> memref<80xi32, #tpu.memory_space<vmem>>
    %dma_start3A_110 = arith.constant 0 : i32
    %dma_start3A_111 = arith.constant 0 : i32
    %dma_start3A_112 = tpu.memref_slice %arg11[%dma_start3A_110, %dma_start3A_111] : memref<10016x128xf32, #tpu.memory_space<vmem_shared>> -> memref<10016x128xf32, #tpu.memory_space<vmem_shared>>
    tpu.enqueue_indirect_dma source(%arg8 : memref<80x128xf32, #tpu.memory_space<vmem>>) target(%dma_start3A_112 : memref<10016x128xf32, #tpu.memory_space<vmem_shared>>) offsets(%dma_start3A_109 : memref<80xi32, #tpu.memory_space<vmem>>) semaphore(%arg15 : memref<!tpu.dma_semaphore, #tpu.memory_space<semaphore_mem>>) {add = true}
    %dma_wait3A_113 = arith.constant 122 : i32
    %dma_wait3A_114 = arith.constant 0 : i32
    %dma_wait3A_115 = tpu.memref_slice %arg7[%dma_wait3A_113, %dma_wait3A_114] : memref<125x80xi32, #tpu.memory_space<vmem>> -> memref<1x80xi32, #tpu.memory_space<vmem>>
    %dma_wait3A_116 = tpu.memref_squeeze %dma_wait3A_115 : memref<1x80xi32, #tpu.memory_space<vmem>> -> memref<80xi32, #tpu.memory_space<vmem>>
    %dma_wait3A_117 = arith.constant 0 : i32
    %dma_wait3A_118 = arith.constant 0 : i32
    %dma_wait3A_119 = tpu.memref_slice %arg11[%dma_wait3A_117, %dma_wait3A_118] : memref<10016x128xf32, #tpu.memory_space<vmem_shared>> -> memref<10016x128xf32, #tpu.memory_space<vmem_shared>>
    tpu.wait_indirect_dma semaphore(%arg17 : memref<!tpu.dma_semaphore, #tpu.memory_space<semaphore_mem>>) src(%arg10 : memref<80x128xf32, #tpu.memory_space<vmem>>) dst(%dma_wait3A_119 : memref<10016x128xf32, #tpu.memory_space<vmem_shared>>)
    %dma_wait3A_120 = arith.constant 124 : i32
    %dma_wait3A_121 = arith.constant 0 : i32
    %dma_wait3A_122 = tpu.memref_slice %arg6[%dma_wait3A_120, %dma_wait3A_121] : memref<125x80xi32, #tpu.memory_space<vmem>> -> memref<1x80xi32, #tpu.memory_space<vmem>>
    %dma_wait3A_123 = tpu.memref_squeeze %dma_wait3A_122 : memref<1x80xi32, #tpu.memory_space<vmem>> -> memref<80xi32, #tpu.memory_space<vmem>>
    %dma_wait3A_124 = arith.constant 0 : i32
    %dma_wait3A_125 = arith.constant 0 : i32
    %dma_wait3A_126 = tpu.memref_slice %arg2[%dma_wait3A_124, %dma_wait3A_125] : memref<10016x128xf32, #tpu.memory_space<hbm>> -> memref<10016x128xf32, #tpu.memory_space<hbm>>
    tpu.wait_indirect_dma semaphore(%arg13 : memref<!tpu.dma_semaphore, #tpu.memory_space<semaphore_mem>>) src(%dma_wait3A_126 : memref<10016x128xf32, #tpu.memory_space<hbm>>) dst(%arg9 : memref<80x128xf32, #tpu.memory_space<vmem>>)
    %dma_start3A_127 = arith.constant 124 : i32
    %dma_start3A_128 = arith.constant 0 : i32
    %dma_start3A_129 = tpu.memref_slice %arg7[%dma_start3A_127, %dma_start3A_128] : memref<125x80xi32, #tpu.memory_space<vmem>> -> memref<1x80xi32, #tpu.memory_space<vmem>>
    %dma_start3A_130 = tpu.memref_squeeze %dma_start3A_129 : memref<1x80xi32, #tpu.memory_space<vmem>> -> memref<80xi32, #tpu.memory_space<vmem>>
    %dma_start3A_131 = arith.constant 0 : i32
    %dma_start3A_132 = arith.constant 0 : i32
    %dma_start3A_133 = tpu.memref_slice %arg11[%dma_start3A_131, %dma_start3A_132] : memref<10016x128xf32, #tpu.memory_space<vmem_shared>> -> memref<10016x128xf32, #tpu.memory_space<vmem_shared>>
    tpu.enqueue_indirect_dma source(%arg9 : memref<80x128xf32, #tpu.memory_space<vmem>>) target(%dma_start3A_133 : memref<10016x128xf32, #tpu.memory_space<vmem_shared>>) offsets(%dma_start3A_130 : memref<80xi32, #tpu.memory_space<vmem>>) semaphore(%arg16 : memref<!tpu.dma_semaphore, #tpu.memory_space<semaphore_mem>>) {add = true}
    %dma_wait3A_134 = arith.constant 123 : i32
    %dma_wait3A_135 = arith.constant 0 : i32
    %dma_wait3A_136 = tpu.memref_slice %arg7[%dma_wait3A_134, %dma_wait3A_135] : memref<125x80xi32, #tpu.memory_space<vmem>> -> memref<1x80xi32, #tpu.memory_space<vmem>>
    %dma_wait3A_137 = tpu.memref_squeeze %dma_wait3A_136 : memref<1x80xi32, #tpu.memory_space<vmem>> -> memref<80xi32, #tpu.memory_space<vmem>>
    %dma_wait3A_138 = arith.constant 0 : i32
    %dma_wait3A_139 = arith.constant 0 : i32
    %dma_wait3A_140 = tpu.memref_slice %arg11[%dma_wait3A_138, %dma_wait3A_139] : memref<10016x128xf32, #tpu.memory_space<vmem_shared>> -> memref<10016x128xf32, #tpu.memory_space<vmem_shared>>
    tpu.wait_indirect_dma semaphore(%arg15 : memref<!tpu.dma_semaphore, #tpu.memory_space<semaphore_mem>>) src(%arg8 : memref<80x128xf32, #tpu.memory_space<vmem>>) dst(%dma_wait3A_140 : memref<10016x128xf32, #tpu.memory_space<vmem_shared>>)
    %dma_wait3A_141 = arith.constant 124 : i32
    %dma_wait3A_142 = arith.constant 0 : i32
    %dma_wait3A_143 = tpu.memref_slice %arg7[%dma_wait3A_141, %dma_wait3A_142] : memref<125x80xi32, #tpu.memory_space<vmem>> -> memref<1x80xi32, #tpu.memory_space<vmem>>
    %dma_wait3A_144 = tpu.memref_squeeze %dma_wait3A_143 : memref<1x80xi32, #tpu.memory_space<vmem>> -> memref<80xi32, #tpu.memory_space<vmem>>
    %dma_wait3A_145 = arith.constant 0 : i32
    %dma_wait3A_146 = arith.constant 0 : i32
    %dma_wait3A_147 = tpu.memref_slice %arg11[%dma_wait3A_145, %dma_wait3A_146] : memref<10016x128xf32, #tpu.memory_space<vmem_shared>> -> memref<10016x128xf32, #tpu.memory_space<vmem_shared>>
    tpu.wait_indirect_dma semaphore(%arg16 : memref<!tpu.dma_semaphore, #tpu.memory_space<semaphore_mem>>) src(%arg9 : memref<80x128xf32, #tpu.memory_space<vmem>>) dst(%dma_wait3A_147 : memref<10016x128xf32, #tpu.memory_space<vmem_shared>>)
    %barrier3A_148 = arith.constant 0 : index
    tpu.barrier barrier_id(%barrier3A_148)
    "tpu.region"() ({
      %run_scoped3A = tpu.sem_alloc : memref<!tpu.dma_semaphore, #tpu.memory_space<semaphore_mem>>
      %dma_start3A_149 = arith.constant 0 : i32
      %dma_start3A_150 = tpu.memref_slice %arg5[%arg0, %mul3A_2, %dma_start3A_149] : memref<2x10016x128xf32, #tpu.memory_space<hbm>> -> memref<1x626x128xf32, #tpu.memory_space<hbm>>
      %dma_start3A_151 = tpu.memref_squeeze %dma_start3A_150 : memref<1x626x128xf32, #tpu.memory_space<hbm>> -> memref<626x128xf32, #tpu.memory_space<hbm>>
      %dma_start3A_152 = arith.constant 0 : i32
      %dma_start3A_153 = tpu.memref_slice %arg11[%mul3A_2, %dma_start3A_152] : memref<10016x128xf32, #tpu.memory_space<vmem_shared>> -> memref<626x128xf32, #tpu.memory_space<vmem_shared>>
      tpu.enqueue_dma source(%dma_start3A_153 : memref<626x128xf32, #tpu.memory_space<vmem_shared>>) target(%dma_start3A_151 : memref<626x128xf32, #tpu.memory_space<hbm>>) target_semaphore(%run_scoped3A : memref<!tpu.dma_semaphore, #tpu.memory_space<semaphore_mem>>)
      %dma_wait3A_154 = arith.constant 0 : i32
      %dma_wait3A_155 = tpu.memref_slice %arg5[%arg0, %mul3A_2, %dma_wait3A_154] : memref<2x10016x128xf32, #tpu.memory_space<hbm>> -> memref<1x626x128xf32, #tpu.memory_space<hbm>>
      %dma_wait3A_156 = tpu.memref_squeeze %dma_wait3A_155 : memref<1x626x128xf32, #tpu.memory_space<hbm>> -> memref<626x128xf32, #tpu.memory_space<hbm>>
      %dma_wait3A_157 = arith.constant 0 : i32
      %dma_wait3A_158 = tpu.memref_slice %arg11[%mul3A_2, %dma_wait3A_157] : memref<10016x128xf32, #tpu.memory_space<vmem_shared>> -> memref<626x128xf32, #tpu.memory_space<vmem_shared>>
      tpu.wait_dma2 semaphore(%run_scoped3A : memref<!tpu.dma_semaphore, #tpu.memory_space<semaphore_mem>>) src(%dma_wait3A_158 : memref<626x128xf32, #tpu.memory_space<vmem_shared>>) dst(%dma_wait3A_156 : memref<626x128xf32, #tpu.memory_space<hbm>>)
      tpu.yield
    }) : () -> ()
    return
  }
}

</mosaic_0001>

<sc_bundles>
// kernel: _seg_call.3.cloned.1.call-start
scs
__scs_entry_jumppad:
0x0: {  	(pc) =	sbr.rel $0x88, $3  }
0x1: {  	(tag) =	ssettag $0x0;
	lr =	simm.s32 $0x1  }
0x2: {  	[smem:$0x3F9E] =	sst lr;
	_ =	strace $0xD0000000  }
0x3: {  	_ = 	snop  }
0x4: {  	_ = 	snop  }
0x5: {  	_ = 	snop  }
0x6: {  	_ = 	snop  }
0x7: {  	_ = 	snop  }
__scs_overlays_trampoline_lowered:
0x8: {  	[smem:$0x3FAD] =	sst s0  }
0x9: {  	[smem:$0x3FAE] =	sst s1  }
0xa: {  	[smem:$0x3FAF] =	sst s2  }
0xb: {  	[smem:$0x3FB0] =	sst s3  }
0xc: {  	[smem:$0x3FB1] =	sst s4  }
0xd: {  	[smem:$0x3FB2] =	sst s5  }
0xe: {  	[smem:$0x3FB3] =	sst s6  }
0xf: {  	[smem:$0x3FB4] =	sst s7  }
0x10: {  	[smem:$0x3FB5] =	sst s8  }
0x11: {  	[smem:$0x3FB6] =	sst s9;
	s0 =	simm.s32 @!p0 $0x0  }
0x12: {  	s1 =	sld [smem:$0x3F9C];
	s0 =	simm.s32 @p0 $0x1  }
0x13: {  	[smem:$0x3FB7] =	sst s0;
	s0 =	simm.s32 @!p1 $0x0  }
0x14: {  	s2 =	sld [smem:$0x3F9B];
	s0 =	simm.s32 @p1 $0x1  }
0x15: {  	[smem:$0x3FB8] =	sst s0;
	s0 =	simm.s32 @!p2 $0x0  }
0x16: {  	s3 =	sld [smem:$0x3FDB];
	s0 =	simm.s32 @p2 $0x1  }
0x17: {  	s4 =	simm.s32 $0x1BF5;
	[smem:$0x3FBA] =	sst s0  }
0x18: {  	s0 =	sld [smem:$0x3F9D];
	_ =	swait.ge [sflag:s4], $0x0  }
0x19: {  	s7 =	sld [smem:$0x3F9E]  }
0x1a: {  	s8 =	sadd.s32 $0xFFFFE003, lr  }
0x1b: {  	s9 =	sadd.s32 $0xFFFFFEF7, lr;
	s5 =	simm.s32 $0xFFFFFFFF;
	p2 =	slt.u32 s8, $0xFFFFF086  }
0x1c: {  	p1 =	slt.u32 s9, $0xF7A;
	s5 =	simm.s32 @!p2 $0x0  }
0x1d: {  	s5 =	simm.s32 @p1 $0x1;
	p0 =	seq.s32 s7, s2  }
0x1e: {  	s7 =	smul.u32 @!p0 $0xF7A, s2;
	p2 =	seq.s32 @!p0 s5, $0x0  }
0x1f: {  	s9 =	smul.u32 $0xF7A, s1;
	s8 =	simm.s32 @!p0 $0x1BF5;
	p2 =	por !p2, p0  }
0x20: {  	[sflag:s8] =	ssyncset.s32 @!p0 $0xFFFFF086;
	s6 =	sadd.s32 @!p0 s3, s7;
	s7 =	simm.s32 @!p0 $0x108  }
0x21: {  	s3 =	sadd.s32 s3, s9;
	s6 =	sadd.s32 @!p0 $0x88, s6;
	s7 =	simm.s32 @p2 $0x1082  }
0x22: {  	[simem:s7], [sflag:s8] =	dma.local @!p0 [hbm:s6], $0xF7A  }
0x23: {  	s9 =	sor.u32 $0xD0000000, s2;
	s6 =	simm.s32 $0x108;
	_ =	swait.ge @!p0 [sflag:s8], $0x0  }
0x24: {  	s3 =	sadd.s32 $0x88, s3;
	s6 =	simm.s32 @!p1 $0x1082;
	[sflag:s4] =	ssyncset.s32 $0xFFFFF086  }
0x25: {  	[simem:s6], [sflag:s4] =	dma.local [hbm:s3], $0xF7A  }
0x26: {  	[smem:$0x3F9E] =	sst s1;
	(tag) =	ssettag s2;
	_ =	strace s9  }
0x27: {  	s1 =	sld [smem:$0x3FAE]  }
0x28: {  	s2 =	sld [smem:$0x3FAF]  }
0x29: {  	s4 =	sld [smem:$0x3FB1]  }
0x2a: {  	p0 =	seq.s32 s5, $0x0;
	s5 =	sld [smem:$0x3FB2]  }
0x2b: {  	s6 =	sld [smem:$0x3FB3]  }
0x2c: {  	s7 =	sld [smem:$0x3FB4]  }
0x2d: {  	s3 =	simm.s32 $0x108;
	s8 =	sld [smem:$0x3FB5]  }
0x2e: {  	s3 =	simm.s32 @!p0 $0x1082;
	s9 =	sld [smem:$0x3FB6]  }
0x2f: {  	lr =	sadd.s32 s0, s3;
	s0 =	sld [smem:$0x3FAD]  }
0x30: {  	s3 =	sld [smem:$0x3FB0]  }
0x31: {  	[smem:$0x3FB9] =	sst s10  }
0x32: {  	s10 =	sld [smem:$0x3FB7];
	_ =	sdelay $0x3  }
0x33: {  	p0 =	seq.s32 s10, $0x1;
	s10 =	sld [smem:$0x3FB9];
	_ =	sdelay $0x3  }
0x34: {  	[smem:$0x3FB9] =	sst s10  }
0x35: {  	s10 =	sld [smem:$0x3FB8];
	_ =	sdelay $0x3  }
0x36: {  	p1 =	seq.s32 s10, $0x1;
	s10 =	sld [smem:$0x3FB9];
	_ =	sdelay $0x3  }
0x37: {  	[smem:$0x3FB9] =	sst s10  }
0x38: {  	s10 =	sld [smem:$0x3FBA]  }
0x39: {  	_ = 	snop;
	(pc) =	sbr.ind lr, $3  }
0x3a: {  	_ = 	snop  }
0x3b: {  	_ = 	snop  }
0x3c: {  	p2 =	seq.s32 s10, $0x1;
	s10 =	sld [smem:$0x3FB9]  }
0x3d: {  	_ =	shalt  }
0x3e: {  	_ =	shalt  }
0x3f: {  	_ =	shalt  }
0x40: {  	_ =	shalt  }
0x41: {  	_ =	shalt  }
0x42: {  	_ =	shalt  }
0x43: {  	_ =	shalt  }
0x44: {  	_ =	shalt  }
0x45: {  	_ =	shalt  }
0x46: {  	_ =	shalt  }
0x47: {  	_ =	shalt  }
0x48: {  	_ =	shalt  }
0x49: {  	_ =	shalt  }
0x4a: {  	_ =	shalt  }
0x4b: {  	_ =	shalt  }
0x4c: {  	_ =	shalt  }
0x4d: {  	_ =	shalt  }
0x4e: {  	_ =	shalt  }
0x4f: {  	_ =	shalt  }
0x50: {  	_ =	shalt  }
0x51: {  	_ =	shalt  }
0x52: {  	_ =	shalt  }
0x53: {  	_ =	shalt  }
0x54: {  	_ =	shalt  }
0x55: {  	_ =	shalt  }
0x56: {  	_ =	shalt  }
0x57: {  	_ =	shalt  }
0x58: {  	_ =	shalt  }
0x59: {  	_ =	shalt  }
0x5a: {  	_ =	shalt  }
0x5b: {  	_ =	shalt  }
0x5c: {  	_ =	shalt  }
0x5d: {  	_ =	shalt  }
0x5e: {  	_ =	shalt  }
0x5f: {  	_ =	shalt  }
0x60: {  	_ =	shalt  }
0x61: {  	_ =	shalt  }
0x62: {  	_ =	shalt  }
0x63: {  	_ =	shalt  }
0x64: {  	_ =	shalt  }
0x65: {  	_ =	shalt  }
0x66: {  	_ =	shalt  }
0x67: {  	_ =	shalt  }
0x68: {  	_ =	shalt  }
0x69: {  	_ =	shalt  }
0x6a: {  	_ =	shalt  }
0x6b: {  	_ =	shalt  }
0x6c: {  	_ =	shalt  }
0x6d: {  	_ =	shalt  }
0x6e: {  	_ =	shalt  }
0x6f: {  	_ =	shalt  }
0x70: {  	_ =	shalt  }
0x71: {  	_ =	shalt  }
0x72: {  	_ =	shalt  }
0x73: {  	_ =	shalt  }
0x74: {  	_ =	shalt  }
0x75: {  	_ =	shalt  }
0x76: {  	_ =	shalt  }
0x77: {  	_ =	shalt  }
0x78: {  	_ =	shalt  }
0x79: {  	_ =	shalt  }
0x7a: {  	_ =	shalt  }
0x7b: {  	_ =	shalt  }
0x7c: {  	_ =	shalt  }
0x7d: {  	_ =	shalt  }
0x7e: {  	_ =	shalt  }
0x7f: {  	_ =	shalt  }
0x80: {  	_ =	shalt  }
0x81: {  	_ =	shalt  }
0x82: {  	_ =	shalt  }
0x83: {  	_ =	shalt  }
0x84: {  	_ =	shalt  }
0x85: {  	_ =	shalt  }
0x86: {  	_ =	shalt  }
0x87: {  	_ =	shalt  }
.Lfunc_end0:
.L_simem_size_0:
called_computation_lowered:
.L_overlay_start_0:
0x88: {  	s2 =	sld [smem:$0x3FD9]  }
0x89: {  	s3 =	sld [smem:$0x3FFE];
	_ =	sdelay $0x1  }
0x8a: {  	s1 =	srdreg.scid  }
0x8b: {  	s0 =	sand.u32 $0x1, s1  }
0x8c: {  	s17 =	sshll.u32 s0, $0xA;
	s2 =	sadd.s32 s3, s2  }
0x8d: {  	s2 =	sadd.s32 s2, s17  }
0x8e: {  	[smem:$0x3FC5] =	sst s2  }
0x8f: {  	_ = 	snop  }
0x90: {  	s2 =	sld [smem:$0x3FC9]  }
0x91: {  	s18 =	sld [smem:$0x3FD0];
	(tm) =	ssettm $0x1  }
0x92: {  	s4 =	sld [smem:$0x3FFB];
	_ =	sdelay $0x3  }
0x93: {  	_ =	strace s4  }
0x94: {  	s4 =	sld [smem:$0x3FFC];
	_ =	sdelay $0x3  }
0x95: {  	_ =	strace s4  }
0x96: {  	s4 =	sld [smem:$0x3FFD];
	_ =	sdelay $0x3  }
0x97: {  	_ =	strace s4  }
0x98: {  	_ =	strace $0x8FFFFFFF  }
0x99: {  	s19 =	sld [smem:$0x3FDB];
	_ =	sdelay $0x1  }
0x9a: {  	s5 =	simm.s32 $_scs_section_size  }
0x9b: {  	s6 =	simm.s32 $_size__tile_overlayer_lowered;
	s7 =	simm.s32 $_tile_overlayer_lowered  }
0x9c: {  	s22 =	simm.s32 $0x1BFF;
	s21 =	sshll.u32 s7, $0x1;
	s4 =	sadd.s32 s5, s19  }
0x9d: {  	s8 =	simm.s32 $0x0;
	s20 =	sshll.u32 s6, $0x1;
	s6 =	sadd.s32 s21, s4  }
0x9e: {  	[timem:s8], [sflag:s22] =	dma.local [hbm:s6], s20  }
0x9f: {  	_ =	swait.ge [sflag:s22], s20  }
0xa0: {  	s5 =	ssub.s32 $0x0, s20;
	[sflag:s22] =	ssyncset.done $0x0  }
0xa1: {  	[sflag:s22] =	ssyncadd.s32 s5;
	_ =	sdelay $0x1  }
0xa2: {  	s23 =	simm.s32 $0x1B8B  }
0xa3: {  	_ =	swait.ge [sflag:s23], $0x1  }
0xa4: {  	[sflag:s23] =	ssyncset.done $0x0  }
0xa5: {  	s25 =	simm.s32 $0x1B8E;
	s24 =	sld [smem:$0x3FFE];
	[sflag:s23] =	ssyncadd.s32 $0xFFFFFFFF  }
0xa6: {  	s26 =	simm.s32 $execute0_lowered;
	[smem:$0x3FD2] =	sst s25  }
0xa7: {  	s6 =	sshll.u32 s26, $0x1;
	_ =	strace $0x80000046;
	[dreg:$0x1] =	wrdreg $0xFFFFFFFF  }
0xa8: {  	s28 =	simm.s32 $_size_execute0_lowered;
	s4 =	sadd.s32 s4, s6;
	[dreg:$0x0] =	wrdreg $0x0  }
0xa9: {  	s6 =	sshll.u32 s28, $0x1;
	[dreg:$0x2] =	wrdreg s4  }
0xaa: {  	[dreg:$0x3] =	wrdreg s6  }
0xab: {  	[dreg:$0x4] =	wrdreg $0xC0  }
0xac: {  	_ =	task [dreg:s8], $0x5FFFF  }
0xad: {  	[dreg:$0x1] =	wrdreg $0xFFFFFFFF  }
0xae: {  	[dreg:$0x0] =	wrdreg $0x60  }
0xaf: {  	[dreg:$0x2] =	wrdreg s2  }
0xb0: {  	[dreg:$0x3] =	wrdreg s24  }
0xb1: {  	[dreg:$0x4] =	wrdreg s18  }
0xb2: {  	[dreg:$0x5] =	wrdreg $0xC6200  }
0xb3: {  	[dreg:$0x6] =	wrdreg $0x9  }
0xb4: {  	_ =	task.clear_ibuf [dreg:s8], $0x7FFFF;
	_ =	strace $0x90000046  }
0xb5: {  	s29 =	simm.s32 $0x9;
	_ =	strace $0x80000048  }
0xb6: {  	_ =	swait.ge [sflag:s29], $0x1  }
0xb7: {  	[sflag:s29] =	ssyncadd.s32 $0xFFFFFFFF  }
0xb8: {  	_ =	strace $0x90000048  }
0xb9: {  	_ =	sfence  }
0xba: {  	s30 =	sld [smem:$0x0];
	_ =	sdelay $0x2  }
0xbb: {  	s31 =	sshll.u32 s1, $0xD;
	s1 =	sshrl.u32 s1, $0x2  }
0xbc: {  	s3 =	sand.u32 $0x4000, s31;
	s1 =	sadd.s32 s1, s30  }
0xbd: {  	s0 =	sor.u32 s3, s0;
	s1 =	sshll.u32 s1, $0x11  }
0xbe: {  	s0 =	sor.u32 s1, s0  }
0xbf: {  	s0 =	sadd.s32 $0x8F2B, s0  }
0xc0: {  	[sflag:s0] =	ssyncadd.remote.s32 $0x1  }
0xc1: {  	_ =	sfence.sel $0xFFFF  }
0xc2: {  	[dreg:$0x0] =	wrdreg $0xFFFFFFFF;
	(pc) =	sbr.abs _section_cstart, $3  }
0xc3: {  	[dreg:$0x1] =	wrdreg $0xFFFFFFFF  }
0xc4: {  	_ =	task.clear_ibuf [dreg:s8], $0x2FFFF;
	_ =	strace $0x9FFFFFFF  }
0xc5: {  	(tm) =	ssettm $0x7FFFFFFF  }
tec
execute0_lowered:
.L_overlay_start_1:
0x0: {  	(tag) =	ssettag $0x1  }
0x1: {  	s1 =	rddreg [dreg:$0x0];
	s0 =	srdreg.scid  }
0x2: {  	s11 =	stileid.u32;
	s2 =	rddreg [dreg:$0x1]  }
0x3: {  	s8 =	rddreg [dreg:$0x2];
	s10 =	simm.s32 $0x7;
	s14 =	simm.s32 $0x50  }
0x4: {  	s15 =	simm.s32 $0x4E20;
	s16 =	simm.s32 $0x7620;
	s17 =	simm.s32 $0x1  }
0x5: {  	s19 =	simm.s32 $0x9E20;
	s20 =	simm.s32 $0x2;
	s22 =	simm.s32 $0x4  }
0x6: {  	s23 =	simm.s32 $0xF0;
	s28 =	simm.s32 $0x4D30;
	s29 =	simm.s32 $0x26C0  }
0x7: {  	s30 =	simm.s32 $0x4D80;
	s31 =	simm.s32 $0x4DD0;
	s0 =	sand.u32 $0x1, s0  }
0x8: {  	s3 =	sshll.u32 s11, $0x1;
	s7 =	smul.u32 $0x13900, s11;
	s26 =	sshll.u32 s11, $0x6  }
0x9: {  	s11 =	simm.s32 $0x2710;
	s4 =	sor.u32 s0, s3;
	s3 =	rddreg [dreg:$0x3]  }
0xa: {  	s6 =	ssub.s32 $0x2, s0;
	s0 =	smul.u32 $0x139000, s0;
	s12 =	sor.u32 $0x1C07, s26  }
0xb: {  	s26 =	simm.s32 $0x6;
	s5 =	smul.u32 $0x4E2, s4;
	s4 =	simm.s32 $0x0  }
0xc: {  	s24 =	sshrl.u32 s6, $0x1;
	s25 =	sshrl.u32 s7, $0x3;
	s13 =	sadd.s32 s7, s3  }
0xd: {  	[smem:$0x7FF] =	sst s4;
	s9 =	ssub.s32 s6, s24;
	s0 =	sadd.s32 s7, s0  }
0xe: {  	s7 =	sadd.s32 s1, s25;
	s13 =	sshrl.u32 s13, $0x3;
	s24 =	simm.s32 $0x3  }
0xf: {  	s25 =	simm.s32 $0x5;
	_ =	strace $0x80000047;
	s2 =	sadd.s32 s5, s2  }
0x10: {  	s0 =	sshrl.u32 s0, $0x3;
	s9 =	smax.u32 s9, $0x1;
	s5 =	sadd.s32 $0x600, s2  }
0x11: {  	s6 =	sadd.s32 $0xA400, s2;
	s8 =	sadd.s32 s8, s0;
	s2 =	simm.s32 $0x0  }
.LBB2_1:
0x12: {  	[tilespmem:s4], [sflag:$0x7] =	stream.linear.gather [hbm4b:s5+s4], $0x2710, $0x38;
	[tilespmem:$0x1FF20] =	vst v63  }
0x13: {  	_ =	swait.ge [sflag:s10], $0x2710  }
0x14: {  	[sflag:s10] =	ssyncset.done $0x0  }
0x15: {  	[sflag:s10] =	ssyncadd.s32 $0xFFFFD8F0  }
0x16: {  	[tilespmem:s11], [sflag:$0x7] =	stream.linear.gather [hbm4b:s6+s4], $0x2710, $0x38;
	[tilespmem:$0x1FF20] =	vst v63  }
0x17: {  	_ =	swait.ge [sflag:s10], $0x2710  }
0x18: {  	[sflag:s10] =	ssyncset.done $0x0  }
0x19: {  	[sflag:s10] =	ssyncadd.s32 $0xFFFFD8F0  }
0x1a: {  	[spmem:s13], [sflag:s12] =	dma.local [hbm:s7], $0x2720  }
0x1b: {  	_ =	swait.ge [sflag:s10], $0x2720  }
0x1c: {  	[sflag:s10] =	ssyncset.done $0x0  }
0x1d: {  	[sflag:s10] =	ssyncadd.s32 $0xFFFFD8E0  }
0x1e: {  	[bflag:$0x0] =	sbarrier.arrive $0xFFFF  }
0x1f: {  	[tilespmem:s15], [sflag:$0x1] =	stream.indirect.gather [hbm4b:s1+s14], $0x80, s4, s14, $0xb8;
	[tilespmem:$0x1FF20] =	vst v63  }
0x20: {  	_ = 	snop  }
0x21: {  	[tilespmem:s16], [sflag:$0x2] =	stream.indirect.gather [hbm4b:s1+s14], $0x80, s14, s14, $0xb8;
	[tilespmem:$0x1FF20] =	vst v63  }
0x22: {  	_ =	swait.ge [sflag:s17], $0x2800  }
0x23: {  	[sflag:s17] =	ssyncset.done $0x0  }
0x24: {  	[sflag:s17] =	ssyncadd.s32 $0xFFFFD800  }
0x25: {  	[spmem:s3] =	stream.indirect.scatter.add.f32 [tilespmem:s15], [sflag:$0x4], $0x80, s11, s14, $0xb8;
	[tilespmem:$0x1FF20] =	vst v63  }
0x26: {  	s0 =	simm.s32 $0xA0  }
0x27: {  	[tilespmem:s19], [sflag:$0x3] =	stream.indirect.gather [hbm4b:s1+s14], $0x80, s0, s14, $0xb8;
	[tilespmem:$0x1FF20] =	vst v63  }
0x28: {  	_ =	swait.ge [sflag:s20], $0x2800  }
0x29: {  	[sflag:s20] =	ssyncset.done $0x0  }
0x2a: {  	s18 =	simm.s32 $0x2760;
	[sflag:s20] =	ssyncadd.s32 $0xFFFFD800  }
0x2b: {  	[spmem:s3] =	stream.indirect.scatter.add.f32 [tilespmem:s16], [sflag:$0x5], $0x80, s18, s14, $0xb8;
	[tilespmem:$0x1FF20] =	vst v63  }
0x2c: {  	_ =	swait.ge [sflag:s22], $0x2800  }
0x2d: {  	[sflag:s22] =	ssyncset.done $0x0  }
0x2e: {  	[sflag:s22] =	ssyncadd.s32 $0xFFFFD800  }
0x2f: {  	[tilespmem:s15], [sflag:$0x1] =	stream.indirect.gather [hbm4b:s1+s14], $0x80, s23, s14, $0xb8;
	[tilespmem:$0x1FF20] =	vst v63  }
0x30: {  	_ =	swait.ge [sflag:s24], $0x2800  }
0x31: {  	[sflag:s24] =	ssyncset.done $0x0  }
0x32: {  	s21 =	simm.s32 $0x27B0;
	[sflag:s24] =	ssyncadd.s32 $0xFFFFD800  }
0x33: {  	[spmem:s3] =	stream.indirect.scatter.add.f32 [tilespmem:s19], [sflag:$0x6], $0x80, s21, s14, $0xb8;
	[tilespmem:$0x1FF20] =	vst v63  }
0x34: {  	_ =	swait.ge [sflag:s25], $0x2800  }
0x35: {  	[sflag:s25] =	ssyncset.done $0x0  }
0x36: {  	s18 =	simm.s32 $0x140;
	[sflag:s25] =	ssyncadd.s32 $0xFFFFD800  }
0x37: {  	[tilespmem:s16], [sflag:$0x2] =	stream.indirect.gather [hbm4b:s1+s14], $0x80, s18, s14, $0xb8;
	[tilespmem:$0x1FF20] =	vst v63  }
0x38: {  	_ =	swait.ge [sflag:s17], $0x2800  }
0x39: {  	[sflag:s17] =	ssyncset.done $0x0  }
0x3a: {  	s21 =	simm.s32 $0x2800;
	[sflag:s17] =	ssyncadd.s32 $0xFFFFD800  }
0x3b: {  	[spmem:s3] =	stream.indirect.scatter.add.f32 [tilespmem:s15], [sflag:$0x4], $0x80, s21, s14, $0xb8;
	[tilespmem:$0x1FF20] =	vst v63  }
0x3c: {  	_ =	swait.ge [sflag:s26], $0x2800  }
0x3d: {  	[sflag:s26] =	ssyncset.done $0x0  }
0x3e: {  	s18 =	simm.s32 $0x190;
	[sflag:s26] =	ssyncadd.s32 $0xFFFFD800  }
0x3f: {  	[tilespmem:s19], [sflag:$0x3] =	stream.indirect.gather [hbm4b:s1+s14], $0x80, s18, s14, $0xb8;
	[tilespmem:$0x1FF20] =	vst v63  }
0x40: {  	_ =	swait.ge [sflag:s20], $0x2800  }
0x41: {  	[sflag:s20] =	ssyncset.done $0x0  }
0x42: {  	s21 =	simm.s32 $0x2850;
	[sflag:s20] =	ssyncadd.s32 $0xFFFFD800  }
0x43: {  	[spmem:s3] =	stream.indirect.scatter.add.f32 [tilespmem:s16], [sflag:$0x5], $0x80, s21, s14, $0xb8;
	[tilespmem:$0x1FF20] =	vst v63  }
0x44: {  	_ =	swait.ge [sflag:s22], $0x2800  }
0x45: {  	[sflag:s22] =	ssyncset.done $0x0  }
0x46: {  	s0 =	simm.s32 $0x3C0;
	s18 =	simm.s32 $0x1E0;
	[sflag:s22] =	ssyncadd.s32 $0xFFFFD800  }
.LBB2_2:
0x47: {  	[tilespmem:s15], [sflag:$0x1] =	stream.indirect.gather [hbm4b:s1+s14], $0x80, s18, s14, $0xb8;
	[tilespmem:$0x1FF20] =	vst v63  }
0x48: {  	s18 =	smov.u32 s0  }
0x49: {  	p0 =	sne.s32 s0, $0x9240;
	s0 =	sadd.s32 $0x3C0, s0;
	_ =	swait.ge [sflag:s24], $0x2800  }
0x4a: {  	s18 =	sshra.s32 s18, $0x2;
	[sflag:s24] =	ssyncset.done $0x0  }
0x4b: {  	s21 =	sadd.s32 $0x27B0, s18;
	[sflag:s24] =	ssyncadd.s32 $0xFFFFD800  }
0x4c: {  	[spmem:s3] =	stream.indirect.scatter.add.f32 [tilespmem:s19], [sflag:$0x6], $0x80, s21, s14, $0xb8;
	[tilespmem:$0x1FF20] =	vst v63  }
0x4d: {  	_ =	swait.ge [sflag:s25], $0x2800  }
0x4e: {  	[sflag:s25] =	ssyncset.done $0x0  }
0x4f: {  	s21 =	sadd.s32 $0x140, s18;
	[sflag:s25] =	ssyncadd.s32 $0xFFFFD800  }
0x50: {  	[tilespmem:s16], [sflag:$0x2] =	stream.indirect.gather [hbm4b:s1+s14], $0x80, s21, s14, $0xb8;
	[tilespmem:$0x1FF20] =	vst v63  }
0x51: {  	_ =	swait.ge [sflag:s17], $0x2800  }
0x52: {  	[sflag:s17] =	ssyncset.done $0x0  }
0x53: {  	s21 =	sadd.s32 $0x2800, s18;
	[sflag:s17] =	ssyncadd.s32 $0xFFFFD800  }
0x54: {  	[spmem:s3] =	stream.indirect.scatter.add.f32 [tilespmem:s15], [sflag:$0x4], $0x80, s21, s14, $0xb8;
	[tilespmem:$0x1FF20] =	vst v63  }
0x55: {  	_ =	swait.ge [sflag:s26], $0x2800  }
0x56: {  	[sflag:s26] =	ssyncset.done $0x0  }
0x57: {  	s21 =	sadd.s32 $0x190, s18;
	[sflag:s26] =	ssyncadd.s32 $0xFFFFD800  }
0x58: {  	[tilespmem:s19], [sflag:$0x3] =	stream.indirect.gather [hbm4b:s1+s14], $0x80, s21, s14, $0xb8;
	[tilespmem:$0x1FF20] =	vst v63  }
0x59: {  	_ =	swait.ge [sflag:s20], $0x2800  }
0x5a: {  	[sflag:s20] =	ssyncset.done $0x0  }
.Ltmp0:
0x5b: {  	s21 =	sadd.s32 $0x2850, s18;
	[sflag:s20] =	ssyncadd.s32 $0xFFFFD800;
	(pc) =	sbr.rel @p0 .LBB2_2-.Ltmp0, $4  }
0x5c: {  	[spmem:s3] =	stream.indirect.scatter.add.f32 [tilespmem:s16], [sflag:$0x5], $0x80, s21, s14, $0xb8;
	[tilespmem:$0x1FF20] =	vst v63  }
0x5d: {  	_ =	swait.ge [sflag:s22], $0x2800  }
0x5e: {  	[sflag:s22] =	ssyncset.done $0x0  }
0x5f: {  	s18 =	sadd.s32 $0x1E0, s18;
	[sflag:s22] =	ssyncadd.s32 $0xFFFFD800  }
0x60: {  	[tilespmem:s15], [sflag:$0x1] =	stream.indirect.gather [hbm4b:s1+s14], $0x80, s18, s14, $0xb8;
	[tilespmem:$0x1FF20] =	vst v63  }
0x61: {  	_ =	swait.ge [sflag:s24], $0x2800  }
0x62: {  	[sflag:s24] =	ssyncset.done $0x0  }
0x63: {  	[sflag:s24] =	ssyncadd.s32 $0xFFFFD800  }
0x64: {  	[spmem:s3] =	stream.indirect.scatter.add.f32 [tilespmem:s19], [sflag:$0x6], $0x80, s28, s14, $0xb8;
	[tilespmem:$0x1FF20] =	vst v63  }
0x65: {  	_ =	swait.ge [sflag:s25], $0x2800  }
0x66: {  	[sflag:s25] =	ssyncset.done $0x0  }
0x67: {  	[sflag:s25] =	ssyncadd.s32 $0xFFFFD800  }
0x68: {  	[tilespmem:s16], [sflag:$0x2] =	stream.indirect.gather [hbm4b:s1+s14], $0x80, s29, s14, $0xb8;
	[tilespmem:$0x1FF20] =	vst v63  }
0x69: {  	_ =	swait.ge [sflag:s17], $0x2800  }
0x6a: {  	[sflag:s17] =	ssyncset.done $0x0  }
0x6b: {  	[sflag:s17] =	ssyncadd.s32 $0xFFFFD800  }
0x6c: {  	[spmem:s3] =	stream.indirect.scatter.add.f32 [tilespmem:s15], [sflag:$0x4], $0x80, s30, s14, $0xb8;
	[tilespmem:$0x1FF20] =	vst v63  }
0x6d: {  	_ =	swait.ge [sflag:s26], $0x2800  }
0x6e: {  	[sflag:s26] =	ssyncset.done $0x0  }
0x6f: {  	[sflag:s26] =	ssyncadd.s32 $0xFFFFD800  }
0x70: {  	_ =	swait.ge [sflag:s20], $0x2800  }
0x71: {  	[sflag:s20] =	ssyncset.done $0x0  }
0x72: {  	[sflag:s20] =	ssyncadd.s32 $0xFFFFD800  }
0x73: {  	[spmem:s3] =	stream.indirect.scatter.add.f32 [tilespmem:s16], [sflag:$0x5], $0x80, s31, s14, $0xb8;
	[tilespmem:$0x1FF20] =	vst v63  }
0x74: {  	_ =	swait.ge [sflag:s22], $0x2800  }
0x75: {  	[sflag:s22] =	ssyncset.done $0x0  }
0x76: {  	[sflag:s22] =	ssyncadd.s32 $0xFFFFD800  }
0x77: {  	_ =	swait.ge [sflag:s25], $0x2800  }
0x78: {  	s2 =	sadd.s32 $0x1, s2;
	[sflag:s25] =	ssyncset.done $0x0  }
0x79: {  	p0 =	sne.s32 s2, s9;
	[sflag:s25] =	ssyncadd.s32 $0xFFFFD800  }
.Ltmp1:
0x7a: {  	[bflag:$0x0] =	sbarrier.arrive $0xFFFF;
	(pc) =	sbr.rel @p0 .LBB2_1-.Ltmp1, $4  }
0x7b: {  	[hbm:s8], [sflag:s12] =	dma.local [spmem:s13], $0x2720  }
0x7c: {  	_ =	swait.ge [sflag:s10], $0x2720  }
0x7d: {  	[sflag:s10] =	ssyncset.done $0x0  }
0x7e: {  	[sflag:s10] =	ssyncadd.s32 $0xFFFFD8E0  }
0x7f: {  	_ =	sfence.sel $0x180000  }
0x80: {  	[bflag:$0x0] =	sbarrier.arrive $0xFFFF  }
0x81: {  	_ =	strace $0x90000047  }
0x82: {  	s0 =	stileid.u32;
	[bflag:$0x2] =	sbarrier.arrive $0xFFFF  }
0x83: {  	p0 =	sne.s32 s0, $0x0;
	s0 =	rddreg [dreg:$0x4]  }
0x84: {  	s0 =	sadd.s32 @!p0 $0x100000, s0  }
0x85: {  	[sflag:s0] =	ssyncadd.tile.s32 @!p0 $0x1;
	_ =	shalt  }
.Lfunc_end2:
_tile_overlayer_lowered:
.L_overlay_start_2:
0x86: {  	(tag) =	ssettag $0x2  }
0x87: {  	s0 =	rddreg [dreg:$0x0];
	s2 =	stileid.u32  }
0x88: {  	s1 =	rddreg [dreg:$0x1];
	p0 =	sne.s32 s2, $0x0  }
0x89: {  	s3 =	rddreg [dreg:$0x2];
	[bflag:$0x3] =	sbarrier.arrive $0xFFFF;
	s2 =	simm.s32 @!p0 $0x1C07  }
0x8a: {  	[timem:s3], [sflag:s2] =	dma.local @!p0 [hbm:s0], s1  }
0x8b: {  	s0 =	simm.s32 @!p0 $0x7  }
0x8c: {  	_ =	swait.ge @!p0 [sflag:s0], s1  }
0x8d: {  	s1 =	ssub.s32 @!p0 $0x0, s1;
	[sflag:s0] =	ssyncset.done @!p0 $0x0  }
0x8e: {  	[sflag:s0] =	ssyncadd.s32 @!p0 s1  }
0x8f: {  	[bflag:$0x3] =	sbarrier.arrive $0xFFFF  }
0x90: {  	_ =	shalt  }

</sc_bundles>
